<compile_context>
chip_gen: v7x
topology: tpu7x:2x2x1
jax: 0.10.2.dev20260603
libtpu: 0.0.44.dev20260713+nightly
codegen_flags: <defaults>
</compile_context>

<pallas_src>
import functools

import jax
import jax.numpy as jnp
from jax import lax
from jax.experimental import pallas as pl
from jax.experimental.pallas import tpu as pltpu
from jax.experimental.pallas import tpu_sc as plsc

_EPS = 1e-12

_NC = 2
_NS = 16
_NW = _NC * _NS
_STREAM = 128


def _sc_gather_kernel(n_streams, idx_hbm, table_hbm, out_hbm, idx_v,
                      r0, r1, r2, r3, g0, g1, g2, g3):
    wid = lax.axis_index("s") * _NC + lax.axis_index("c")
    row0 = wid * n_streams
    pltpu.sync_copy(idx_hbm.at[pl.ds(row0, n_streams)], idx_v)

    def fire(j, buf, sem):
        pltpu.async_copy(table_hbm.at[idx_v.at[j]], buf, sem)

    def fire_if(j, buf, sem):
        @pl.when(j < n_streams)
        def _():
            fire(j, buf, sem)

    def drain_write(j, buf, sem):
        pltpu.make_async_copy(table_hbm.at[idx_v.at[0]], buf, sem).wait()
        pltpu.sync_copy(buf, out_hbm.at[pl.ds((row0 + j) * _STREAM,
                                              _STREAM)])

    fire(0, r0, g0)
    fire(1, r1, g1)

    def quad(q, carry):
        j = 4 * q
        fire(j + 2, r2, g2)
        drain_write(j, r0, g0)
        fire(j + 3, r3, g3)
        drain_write(j + 1, r1, g1)
        fire_if(j + 4, r0, g0)
        drain_write(j + 2, r2, g2)
        fire_if(j + 5, r1, g1)
        drain_write(j + 3, r3, g3)
        return carry

    lax.fori_loop(0, n_streams // 4, quad, 0, unroll=False)


def _sc_gather(idx2, table):
    n_rows = idx2.shape[0] * idx2.shape[1]
    d = table.shape[1]
    n_streams = n_rows // (_NW * _STREAM)
    mesh = plsc.VectorSubcoreMesh(core_axis_name="c", subcore_axis_name="s")
    kern = pl.kernel(
        functools.partial(_sc_gather_kernel, n_streams),
        out_type=jax.ShapeDtypeStruct((n_rows, d), jnp.float32),
        mesh=mesh,
        scratch_types=(
            [pltpu.VMEM((n_streams, _STREAM), jnp.int32)]
            + [pltpu.VMEM((_STREAM, d), jnp.float32)] * 4
            + [pltpu.SemaphoreType.DMA] * 4
        ),
        compiler_params=pltpu.CompilerParams(use_tc_tiling_on_sc=True),
    )
    return kern(idx2, table)


def _tc_dense_kernel(embt_ref, wt_ref, b_ref, out_ref):
    x = embt_ref[...]
    s = jnp.sum(x * x, axis=0, keepdims=True)
    x = x * lax.rsqrt(jnp.maximum(s, _EPS * _EPS))
    x = jnp.tanh(x)
    h = lax.dot_general(x, wt_ref[...], (((0,), (0,)), ((), ())),
                        preferred_element_type=jnp.float32)
    h = h + b_ref[...]
    hs = jnp.sum(h * h, axis=1, keepdims=True)
    h = h * lax.rsqrt(jnp.maximum(hs, _EPS * _EPS))
    out_ref[...] = jnp.maximum(h, 0.0)


def _tc_dense(embt, wt, b2, block_n):
    d, n_rows = embt.shape
    out_dim = wt.shape[1]
    grid = (pl.cdiv(n_rows, block_n),)
    return pl.pallas_call(
        _tc_dense_kernel,
        grid=grid,
        in_specs=[
            pl.BlockSpec((d, block_n), lambda i: (0, i)),
            pl.BlockSpec((d, out_dim), lambda i: (0, 0)),
            pl.BlockSpec((1, out_dim), lambda i: (0, 0)),
        ],
        out_specs=pl.BlockSpec((block_n, out_dim), lambda i: (i, 0)),
        out_shape=jax.ShapeDtypeStruct((n_rows, out_dim), jnp.float32),
        compiler_params=pltpu.CompilerParams(
            dimension_semantics=("parallel",)),
    )(embt, wt, b2)


@jax.jit
def kernel(indices, table, W, b):
    n = indices.shape[0]
    out_dim = W.shape[0]
    b2 = b.reshape(1, out_dim)
    t4 = _tc_dense(table.T, W.T, b2, block_n=8192)
    idx2 = indices.astype(jnp.int32).reshape(n // _STREAM, _STREAM)
    return _sc_gather(idx2, t4)

# --- scband reference (transcript-rebuilt; emitter-appended) ---
"""Pipeline reference for scband-ast2-vector-20023137534862 (READ-ONLY COPY).

The authoritative reference and input builder live on the scoring server;
editing this copy changes nothing except your own understanding.
"""

import jax, jax.numpy as jnp
import numpy as np

VOCAB = 100001  # 100000 pretrained rows + 1 zero NULL row
IN_DIM = 30
OUT_DIM = 128
N = 327680


def _l2norm(x, eps=1e-12):
    # matches torch F.normalize(p=2, dim=1)
    n = jnp.sqrt(jnp.sum(x * x, axis=1, keepdims=True))
    return x / jnp.maximum(n, eps)


def setup_inputs(seed: int = 0) -> dict:
    key = jax.random.key(seed)
    k1, k2, k3 = jax.random.split(key, 3)
    indices = jax.random.randint(k1, (N,), 0, VOCAB, dtype=jnp.int64 if jax.config.jax_enable_x64 else jnp.int32).astype(jnp.int32)
    table = jax.random.normal(k2, (VOCAB, IN_DIM), dtype=jnp.float32)
    table = table.at[VOCAB - 1].set(0.0)  # NULL_INDEX row is zeros
    # xavier_uniform with gain=1.414 for W: [OUT_DIM, IN_DIM]
    limit = 1.414 * np.sqrt(6.0 / (IN_DIM + OUT_DIM))
    W = jax.random.uniform(k3, (OUT_DIM, IN_DIM), dtype=jnp.float32, minval=-limit, maxval=limit)
    b = jnp.zeros((OUT_DIM,), dtype=jnp.float32)
    return {"indices": indices, "table": table, "W": W, "b": b}


def reference(indices, table, W, b):
    # embedding lookup (frozen table in torch, but math identical)
    embedded = jnp.take(table, indices, axis=0)
    embedded = _l2norm(embedded)
    embedded = jnp.tanh(embedded)
    Wh = embedded @ W.T + b
    h_prime = _l2norm(Wh)
    return jax.nn.relu(h_prime)

if __name__ == "__main__":
    import jax
    _d = setup_inputs()
    print(jax.jit(kernel)(*tuple(_d.values())))

</pallas_src>

<mosaic_0001>
#map = affine_map<(d0, d1) -> (0, 0)>
module attributes {stable_mosaic.version = 14 : i64} {
  func.func @_sc_gather_kernel(%arg0: i32, %arg1: i32, %arg2: memref<2560x128xi32, #tpu.memory_space<hbm>>, %arg3: memref<100001x128xf32, #tpu.memory_space<hbm>>, %arg4: memref<327680x128xf32, #tpu.memory_space<hbm>>, %arg5: memref<80x128xi32, #tpu.memory_space<vmem>>, %arg6: memref<128x128xf32, #tpu.memory_space<vmem>>, %arg7: memref<128x128xf32, #tpu.memory_space<vmem>>, %arg8: memref<128x128xf32, #tpu.memory_space<vmem>>, %arg9: memref<128x128xf32, #tpu.memory_space<vmem>>, %arg10: memref<!tpu.dma_semaphore, #tpu.memory_space<semaphore_mem>>, %arg11: memref<!tpu.dma_semaphore, #tpu.memory_space<semaphore_mem>>, %arg12: memref<!tpu.dma_semaphore, #tpu.memory_space<semaphore_mem>>, %arg13: memref<!tpu.dma_semaphore, #tpu.memory_space<semaphore_mem>>) attributes {dimension_semantics = [#tpu.dimension_semantics<core_parallel>, #tpu.dimension_semantics<subcore_parallel>], iteration_bounds = array<i64: 2, 16>, scalar_prefetch = 0 : i64, scratch_operands = 9 : i64, tpu.core_type = #tpu.core_type<sc_vector_subcore>, window_params = [{transform_indices = #map}, {transform_indices = #map}, {transform_indices = #map}]} {
    %mul3A = arith.constant 2 : i32
    %mul3A_0 = arith.muli %arg1, %mul3A : i32
    %add3A = arith.addi %mul3A_0, %arg0 : i32
    %mul3A_1 = arith.constant 80 : i32
    %mul3A_2 = arith.muli %add3A, %mul3A_1 : i32
    "tpu.region"() ({
      %run_scoped3A = tpu.sem_alloc : memref<!tpu.dma_semaphore, #tpu.memory_space<semaphore_mem>>
      %dma_start3A_21 = arith.constant 0 : i32
      %dma_start3A_22 = tpu.memref_slice %arg2[%mul3A_2, %dma_start3A_21] : memref<2560x128xi32, #tpu.memory_space<hbm>> -> memref<80x128xi32, #tpu.memory_space<hbm>>
      %dma_start3A_23 = arith.constant 0 : i32
      %dma_start3A_24 = tpu.memref_slice %arg2[%mul3A_2, %dma_start3A_23] : memref<2560x128xi32, #tpu.memory_space<hbm>> -> memref<80x128xi32, #tpu.memory_space<hbm>>
      tpu.enqueue_dma source(%dma_start3A_24 : memref<80x128xi32, #tpu.memory_space<hbm>>) target(%arg5 : memref<80x128xi32, #tpu.memory_space<vmem>>) target_semaphore(%run_scoped3A : memref<!tpu.dma_semaphore, #tpu.memory_space<semaphore_mem>>)
      %dma_wait3A = arith.constant 0 : i32
      %dma_wait3A_25 = tpu.memref_slice %arg2[%mul3A_2, %dma_wait3A] : memref<2560x128xi32, #tpu.memory_space<hbm>> -> memref<80x128xi32, #tpu.memory_space<hbm>>
      %dma_wait3A_26 = arith.constant 0 : i32
      %dma_wait3A_27 = tpu.memref_slice %arg2[%mul3A_2, %dma_wait3A_26] : memref<2560x128xi32, #tpu.memory_space<hbm>> -> memref<80x128xi32, #tpu.memory_space<hbm>>
      tpu.wait_dma2 semaphore(%run_scoped3A : memref<!tpu.dma_semaphore, #tpu.memory_space<semaphore_mem>>) src(%dma_wait3A_27 : memref<80x128xi32, #tpu.memory_space<hbm>>) dst(%arg5 : memref<80x128xi32, #tpu.memory_space<vmem>>)
      tpu.yield
    }) : () -> ()
    %dma_start3A = arith.constant 0 : i32
    %dma_start3A_3 = arith.constant 0 : i32
    %dma_start3A_4 = tpu.memref_slice %arg5[%dma_start3A, %dma_start3A_3] : memref<80x128xi32, #tpu.memory_space<vmem>> -> memref<1x128xi32, #tpu.memory_space<vmem>>
    %dma_start3A_5 = tpu.memref_squeeze %dma_start3A_4 : memref<1x128xi32, #tpu.memory_space<vmem>> -> memref<128xi32, #tpu.memory_space<vmem>>
    %dma_start3A_6 = arith.constant 0 : i32
    %dma_start3A_7 = arith.constant 0 : i32
    %dma_start3A_8 = tpu.memref_slice %arg3[%dma_start3A_6, %dma_start3A_7] : memref<100001x128xf32, #tpu.memory_space<hbm>> -> memref<100001x128xf32, #tpu.memory_space<hbm>>
    tpu.enqueue_indirect_dma source(%dma_start3A_8 : memref<100001x128xf32, #tpu.memory_space<hbm>>) target(%arg6 : memref<128x128xf32, #tpu.memory_space<vmem>>) offsets(%dma_start3A_5 : memref<128xi32, #tpu.memory_space<vmem>>) semaphore(%arg10 : memref<!tpu.dma_semaphore, #tpu.memory_space<semaphore_mem>>)
    %dma_start3A_9 = arith.constant 1 : i32
    %dma_start3A_10 = arith.constant 0 : i32
    %dma_start3A_11 = tpu.memref_slice %arg5[%dma_start3A_9, %dma_start3A_10] : memref<80x128xi32, #tpu.memory_space<vmem>> -> memref<1x128xi32, #tpu.memory_space<vmem>>
    %dma_start3A_12 = tpu.memref_squeeze %dma_start3A_11 : memref<1x128xi32, #tpu.memory_space<vmem>> -> memref<128xi32, #tpu.memory_space<vmem>>
    %dma_start3A_13 = arith.constant 0 : i32
    %dma_start3A_14 = arith.constant 0 : i32
    %dma_start3A_15 = tpu.memref_slice %arg3[%dma_start3A_13, %dma_start3A_14] : memref<100001x128xf32, #tpu.memory_space<hbm>> -> memref<100001x128xf32, #tpu.memory_space<hbm>>
    tpu.enqueue_indirect_dma source(%dma_start3A_15 : memref<100001x128xf32, #tpu.memory_space<hbm>>) target(%arg7 : memref<128x128xf32, #tpu.memory_space<vmem>>) offsets(%dma_start3A_12 : memref<128xi32, #tpu.memory_space<vmem>>) semaphore(%arg11 : memref<!tpu.dma_semaphore, #tpu.memory_space<semaphore_mem>>)
    %scan3A = arith.constant 0 : i32
    %scan3A_16 = arith.constant 0 : i32
    %scan3A_17 = arith.constant 20 : i32
    %scan3A_18 = arith.addi %scan3A_16, %scan3A_17 : i32
    %scan3A_19 = arith.constant 1 : i32
    scf.for %scan3A_21 = %scan3A_16 to %scan3A_18 step %scan3A_19  : i32 {
      %mul3A_22 = arith.constant 4 : i32
      %mul3A_23 = arith.muli %mul3A_22, %scan3A_21 : i32
      %add3A_24 = arith.constant 2 : i32
      %add3A_25 = arith.addi %mul3A_23, %add3A_24 : i32
      %dma_start3A_26 = arith.constant 0 : i32
      %dma_start3A_27 = tpu.memref_slice %arg5[%add3A_25, %dma_start3A_26] : memref<80x128xi32, #tpu.memory_space<vmem>> -> memref<1x128xi32, #tpu.memory_space<vmem>>
      %dma_start3A_28 = tpu.memref_squeeze %dma_start3A_27 : memref<1x128xi32, #tpu.memory_space<vmem>> -> memref<128xi32, #tpu.memory_space<vmem>>
      %dma_start3A_29 = arith.constant 0 : i32
      %dma_start3A_30 = arith.constant 0 : i32
      %dma_start3A_31 = tpu.memref_slice %arg3[%dma_start3A_29, %dma_start3A_30] : memref<100001x128xf32, #tpu.memory_space<hbm>> -> memref<100001x128xf32, #tpu.memory_space<hbm>>
      tpu.enqueue_indirect_dma source(%dma_start3A_31 : memref<100001x128xf32, #tpu.memory_space<hbm>>) target(%arg8 : memref<128x128xf32, #tpu.memory_space<vmem>>) offsets(%dma_start3A_28 : memref<128xi32, #tpu.memory_space<vmem>>) semaphore(%arg12 : memref<!tpu.dma_semaphore, #tpu.memory_space<semaphore_mem>>)
      %dma_wait3A = arith.constant 0 : i32
      %dma_wait3A_32 = arith.constant 0 : i32
      %dma_wait3A_33 = tpu.memref_slice %arg5[%dma_wait3A, %dma_wait3A_32] : memref<80x128xi32, #tpu.memory_space<vmem>> -> memref<1x128xi32, #tpu.memory_space<vmem>>
      %dma_wait3A_34 = tpu.memref_squeeze %dma_wait3A_33 : memref<1x128xi32, #tpu.memory_space<vmem>> -> memref<128xi32, #tpu.memory_space<vmem>>
      %dma_wait3A_35 = arith.constant 0 : i32
      %dma_wait3A_36 = arith.constant 0 : i32
      %dma_wait3A_37 = tpu.memref_slice %arg3[%dma_wait3A_35, %dma_wait3A_36] : memref<100001x128xf32, #tpu.memory_space<hbm>> -> memref<100001x128xf32, #tpu.memory_space<hbm>>
      tpu.wait_indirect_dma semaphore(%arg10 : memref<!tpu.dma_semaphore, #tpu.memory_space<semaphore_mem>>) src(%dma_wait3A_37 : memref<100001x128xf32, #tpu.memory_space<hbm>>) dst(%arg6 : memref<128x128xf32, #tpu.memory_space<vmem>>)
      %add3A_38 = arith.addi %mul3A_2, %mul3A_23 : i32
      %mul3A_39 = arith.constant 128 : i32
      %mul3A_40 = arith.muli %add3A_38, %mul3A_39 : i32
      "tpu.region"() ({
        %run_scoped3A = tpu.sem_alloc : memref<!tpu.dma_semaphore, #tpu.memory_space<semaphore_mem>>
        %dma_start3A_96 = arith.constant 0 : i32
        %dma_start3A_97 = tpu.memref_slice %arg4[%mul3A_40, %dma_start3A_96] : memref<327680x128xf32, #tpu.memory_space<hbm>> -> memref<128x128xf32, #tpu.memory_space<hbm>>
        %dma_start3A_98 = arith.constant 0 : i32
        %dma_start3A_99 = tpu.memref_slice %arg4[%mul3A_40, %dma_start3A_98] : memref<327680x128xf32, #tpu.memory_space<hbm>> -> memref<128x128xf32, #tpu.memory_space<hbm>>
        tpu.enqueue_dma source(%arg6 : memref<128x128xf32, #tpu.memory_space<vmem>>) target(%dma_start3A_99 : memref<128x128xf32, #tpu.memory_space<hbm>>) target_semaphore(%run_scoped3A : memref<!tpu.dma_semaphore, #tpu.memory_space<semaphore_mem>>)
        %dma_wait3A_100 = arith.constant 0 : i32
        %dma_wait3A_101 = tpu.memref_slice %arg4[%mul3A_40, %dma_wait3A_100] : memref<327680x128xf32, #tpu.memory_space<hbm>> -> memref<128x128xf32, #tpu.memory_space<hbm>>
        %dma_wait3A_102 = arith.constant 0 : i32
        %dma_wait3A_103 = tpu.memref_slice %arg4[%mul3A_40, %dma_wait3A_102] : memref<327680x128xf32, #tpu.memory_space<hbm>> -> memref<128x128xf32, #tpu.memory_space<hbm>>
        tpu.wait_dma2 semaphore(%run_scoped3A : memref<!tpu.dma_semaphore, #tpu.memory_space<semaphore_mem>>) src(%arg6 : memref<128x128xf32, #tpu.memory_space<vmem>>) dst(%dma_wait3A_103 : memref<128x128xf32, #tpu.memory_space<hbm>>)
        tpu.yield
      }) : () -> ()
      %add3A_41 = arith.constant 3 : i32
      %add3A_42 = arith.addi %mul3A_23, %add3A_41 : i32
      %dma_start3A_43 = arith.constant 0 : i32
      %dma_start3A_44 = tpu.memref_slice %arg5[%add3A_42, %dma_start3A_43] : memref<80x128xi32, #tpu.memory_space<vmem>> -> memref<1x128xi32, #tpu.memory_space<vmem>>
      %dma_start3A_45 = tpu.memref_squeeze %dma_start3A_44 : memref<1x128xi32, #tpu.memory_space<vmem>> -> memref<128xi32, #tpu.memory_space<vmem>>
      %dma_start3A_46 = arith.constant 0 : i32
      %dma_start3A_47 = arith.constant 0 : i32
      %dma_start3A_48 = tpu.memref_slice %arg3[%dma_start3A_46, %dma_start3A_47] : memref<100001x128xf32, #tpu.memory_space<hbm>> -> memref<100001x128xf32, #tpu.memory_space<hbm>>
      tpu.enqueue_indirect_dma source(%dma_start3A_48 : memref<100001x128xf32, #tpu.memory_space<hbm>>) target(%arg9 : memref<128x128xf32, #tpu.memory_space<vmem>>) offsets(%dma_start3A_45 : memref<128xi32, #tpu.memory_space<vmem>>) semaphore(%arg13 : memref<!tpu.dma_semaphore, #tpu.memory_space<semaphore_mem>>)
      %add3A_49 = arith.constant 1 : i32
      %add3A_50 = arith.addi %mul3A_23, %add3A_49 : i32
      %dma_wait3A_51 = arith.constant 0 : i32
      %dma_wait3A_52 = arith.constant 0 : i32
      %dma_wait3A_53 = tpu.memref_slice %arg5[%dma_wait3A_51, %dma_wait3A_52] : memref<80x128xi32, #tpu.memory_space<vmem>> -> memref<1x128xi32, #tpu.memory_space<vmem>>
      %dma_wait3A_54 = tpu.memref_squeeze %dma_wait3A_53 : memref<1x128xi32, #tpu.memory_space<vmem>> -> memref<128xi32, #tpu.memory_space<vmem>>
      %dma_wait3A_55 = arith.constant 0 : i32
      %dma_wait3A_56 = arith.constant 0 : i32
      %dma_wait3A_57 = tpu.memref_slice %arg3[%dma_wait3A_55, %dma_wait3A_56] : memref<100001x128xf32, #tpu.memory_space<hbm>> -> memref<100001x128xf32, #tpu.memory_space<hbm>>
      tpu.wait_indirect_dma semaphore(%arg11 : memref<!tpu.dma_semaphore, #tpu.memory_space<semaphore_mem>>) src(%dma_wait3A_57 : memref<100001x128xf32, #tpu.memory_space<hbm>>) dst(%arg7 : memref<128x128xf32, #tpu.memory_space<vmem>>)
      %add3A_58 = arith.addi %mul3A_2, %add3A_50 : i32
      %mul3A_59 = arith.constant 128 : i32
      %mul3A_60 = arith.muli %add3A_58, %mul3A_59 : i32
      "tpu.region"() ({
        %run_scoped3A = tpu.sem_alloc : memref<!tpu.dma_semaphore, #tpu.memory_space<semaphore_mem>>
        %dma_start3A_96 = arith.constant 0 : i32
        %dma_start3A_97 = tpu.memref_slice %arg4[%mul3A_60, %dma_start3A_96] : memref<327680x128xf32, #tpu.memory_space<hbm>> -> memref<128x128xf32, #tpu.memory_space<hbm>>
        %dma_start3A_98 = arith.constant 0 : i32
        %dma_start3A_99 = tpu.memref_slice %arg4[%mul3A_60, %dma_start3A_98] : memref<327680x128xf32, #tpu.memory_space<hbm>> -> memref<128x128xf32, #tpu.memory_space<hbm>>
        tpu.enqueue_dma source(%arg7 : memref<128x128xf32, #tpu.memory_space<vmem>>) target(%dma_start3A_99 : memref<128x128xf32, #tpu.memory_space<hbm>>) target_semaphore(%run_scoped3A : memref<!tpu.dma_semaphore, #tpu.memory_space<semaphore_mem>>)
        %dma_wait3A_100 = arith.constant 0 : i32
        %dma_wait3A_101 = tpu.memref_slice %arg4[%mul3A_60, %dma_wait3A_100] : memref<327680x128xf32, #tpu.memory_space<hbm>> -> memref<128x128xf32, #tpu.memory_space<hbm>>
        %dma_wait3A_102 = arith.constant 0 : i32
        %dma_wait3A_103 = tpu.memref_slice %arg4[%mul3A_60, %dma_wait3A_102] : memref<327680x128xf32, #tpu.memory_space<hbm>> -> memref<128x128xf32, #tpu.memory_space<hbm>>
        tpu.wait_dma2 semaphore(%run_scoped3A : memref<!tpu.dma_semaphore, #tpu.memory_space<semaphore_mem>>) src(%arg7 : memref<128x128xf32, #tpu.memory_space<vmem>>) dst(%dma_wait3A_103 : memref<128x128xf32, #tpu.memory_space<hbm>>)
        tpu.yield
      }) : () -> ()
      %add3A_61 = arith.constant 4 : i32
      %add3A_62 = arith.addi %mul3A_23, %add3A_61 : i32
      %lt3A = arith.constant 80 : i32
      %lt3A_63 = arith.cmpi slt, %add3A_62, %lt3A : i32
      %convert_element_type3A = arith.extui %lt3A_63 : i1 to i32
      %cond3A = arith.constant 0 : i32
      %cond3A_64 = arith.cmpi ne, %convert_element_type3A, %cond3A : i32
      scf.if %cond3A_64 {
        %dma_start3A_96 = arith.constant 0 : i32
        %dma_start3A_97 = tpu.memref_slice %arg5[%add3A_62, %dma_start3A_96] : memref<80x128xi32, #tpu.memory_space<vmem>> -> memref<1x128xi32, #tpu.memory_space<vmem>>
        %dma_start3A_98 = tpu.memref_squeeze %dma_start3A_97 : memref<1x128xi32, #tpu.memory_space<vmem>> -> memref<128xi32, #tpu.memory_space<vmem>>
        %dma_start3A_99 = arith.constant 0 : i32
        %dma_start3A_100 = arith.constant 0 : i32
        %dma_start3A_101 = tpu.memref_slice %arg3[%dma_start3A_99, %dma_start3A_100] : memref<100001x128xf32, #tpu.memory_space<hbm>> -> memref<100001x128xf32, #tpu.memory_space<hbm>>
        tpu.enqueue_indirect_dma source(%dma_start3A_101 : memref<100001x128xf32, #tpu.memory_space<hbm>>) target(%arg6 : memref<128x128xf32, #tpu.memory_space<vmem>>) offsets(%dma_start3A_98 : memref<128xi32, #tpu.memory_space<vmem>>) semaphore(%arg10 : memref<!tpu.dma_semaphore, #tpu.memory_space<semaphore_mem>>)
      } else {
      }
      %add3A_65 = arith.constant 2 : i32
      %add3A_66 = arith.addi %mul3A_23, %add3A_65 : i32
      %dma_wait3A_67 = arith.constant 0 : i32
      %dma_wait3A_68 = arith.constant 0 : i32
      %dma_wait3A_69 = tpu.memref_slice %arg5[%dma_wait3A_67, %dma_wait3A_68] : memref<80x128xi32, #tpu.memory_space<vmem>> -> memref<1x128xi32, #tpu.memory_space<vmem>>
      %dma_wait3A_70 = tpu.memref_squeeze %dma_wait3A_69 : memref<1x128xi32, #tpu.memory_space<vmem>> -> memref<128xi32, #tpu.memory_space<vmem>>
      %dma_wait3A_71 = arith.constant 0 : i32
      %dma_wait3A_72 = arith.constant 0 : i32
      %dma_wait3A_73 = tpu.memref_slice %arg3[%dma_wait3A_71, %dma_wait3A_72] : memref<100001x128xf32, #tpu.memory_space<hbm>> -> memref<100001x128xf32, #tpu.memory_space<hbm>>
      tpu.wait_indirect_dma semaphore(%arg12 : memref<!tpu.dma_semaphore, #tpu.memory_space<semaphore_mem>>) src(%dma_wait3A_73 : memref<100001x128xf32, #tpu.memory_space<hbm>>) dst(%arg8 : memref<128x128xf32, #tpu.memory_space<vmem>>)
      %add3A_74 = arith.addi %mul3A_2, %add3A_66 : i32
      %mul3A_75 = arith.constant 128 : i32
      %mul3A_76 = arith.muli %add3A_74, %mul3A_75 : i32
      "tpu.region"() ({
        %run_scoped3A = tpu.sem_alloc : memref<!tpu.dma_semaphore, #tpu.memory_space<semaphore_mem>>
        %dma_start3A_96 = arith.constant 0 : i32
        %dma_start3A_97 = tpu.memref_slice %arg4[%mul3A_76, %dma_start3A_96] : memref<327680x128xf32, #tpu.memory_space<hbm>> -> memref<128x128xf32, #tpu.memory_space<hbm>>
        %dma_start3A_98 = arith.constant 0 : i32
        %dma_start3A_99 = tpu.memref_slice %arg4[%mul3A_76, %dma_start3A_98] : memref<327680x128xf32, #tpu.memory_space<hbm>> -> memref<128x128xf32, #tpu.memory_space<hbm>>
        tpu.enqueue_dma source(%arg8 : memref<128x128xf32, #tpu.memory_space<vmem>>) target(%dma_start3A_99 : memref<128x128xf32, #tpu.memory_space<hbm>>) target_semaphore(%run_scoped3A : memref<!tpu.dma_semaphore, #tpu.memory_space<semaphore_mem>>)
        %dma_wait3A_100 = arith.constant 0 : i32
        %dma_wait3A_101 = tpu.memref_slice %arg4[%mul3A_76, %dma_wait3A_100] : memref<327680x128xf32, #tpu.memory_space<hbm>> -> memref<128x128xf32, #tpu.memory_space<hbm>>
        %dma_wait3A_102 = arith.constant 0 : i32
        %dma_wait3A_103 = tpu.memref_slice %arg4[%mul3A_76, %dma_wait3A_102] : memref<327680x128xf32, #tpu.memory_space<hbm>> -> memref<128x128xf32, #tpu.memory_space<hbm>>
        tpu.wait_dma2 semaphore(%run_scoped3A : memref<!tpu.dma_semaphore, #tpu.memory_space<semaphore_mem>>) src(%arg8 : memref<128x128xf32, #tpu.memory_space<vmem>>) dst(%dma_wait3A_103 : memref<128x128xf32, #tpu.memory_space<hbm>>)
        tpu.yield
      }) : () -> ()
      %add3A_77 = arith.constant 5 : i32
      %add3A_78 = arith.addi %mul3A_23, %add3A_77 : i32
      %lt3A_79 = arith.constant 80 : i32
      %lt3A_80 = arith.cmpi slt, %add3A_78, %lt3A_79 : i32
      %convert_element_type3A_81 = arith.extui %lt3A_80 : i1 to i32
      %cond3A_82 = arith.constant 0 : i32
      %cond3A_83 = arith.cmpi ne, %convert_element_type3A_81, %cond3A_82 : i32
      scf.if %cond3A_83 {
        %dma_start3A_96 = arith.constant 0 : i32
        %dma_start3A_97 = tpu.memref_slice %arg5[%add3A_78, %dma_start3A_96] : memref<80x128xi32, #tpu.memory_space<vmem>> -> memref<1x128xi32, #tpu.memory_space<vmem>>
        %dma_start3A_98 = tpu.memref_squeeze %dma_start3A_97 : memref<1x128xi32, #tpu.memory_space<vmem>> -> memref<128xi32, #tpu.memory_space<vmem>>
        %dma_start3A_99 = arith.constant 0 : i32
        %dma_start3A_100 = arith.constant 0 : i32
        %dma_start3A_101 = tpu.memref_slice %arg3[%dma_start3A_99, %dma_start3A_100] : memref<100001x128xf32, #tpu.memory_space<hbm>> -> memref<100001x128xf32, #tpu.memory_space<hbm>>
        tpu.enqueue_indirect_dma source(%dma_start3A_101 : memref<100001x128xf32, #tpu.memory_space<hbm>>) target(%arg7 : memref<128x128xf32, #tpu.memory_space<vmem>>) offsets(%dma_start3A_98 : memref<128xi32, #tpu.memory_space<vmem>>) semaphore(%arg11 : memref<!tpu.dma_semaphore, #tpu.memory_space<semaphore_mem>>)
      } else {
      }
      %add3A_84 = arith.constant 3 : i32
      %add3A_85 = arith.addi %mul3A_23, %add3A_84 : i32
      %dma_wait3A_86 = arith.constant 0 : i32
      %dma_wait3A_87 = arith.constant 0 : i32
      %dma_wait3A_88 = tpu.memref_slice %arg5[%dma_wait3A_86, %dma_wait3A_87] : memref<80x128xi32, #tpu.memory_space<vmem>> -> memref<1x128xi32, #tpu.memory_space<vmem>>
      %dma_wait3A_89 = tpu.memref_squeeze %dma_wait3A_88 : memref<1x128xi32, #tpu.memory_space<vmem>> -> memref<128xi32, #tpu.memory_space<vmem>>
      %dma_wait3A_90 = arith.constant 0 : i32
      %dma_wait3A_91 = arith.constant 0 : i32
      %dma_wait3A_92 = tpu.memref_slice %arg3[%dma_wait3A_90, %dma_wait3A_91] : memref<100001x128xf32, #tpu.memory_space<hbm>> -> memref<100001x128xf32, #tpu.memory_space<hbm>>
      tpu.wait_indirect_dma semaphore(%arg13 : memref<!tpu.dma_semaphore, #tpu.memory_space<semaphore_mem>>) src(%dma_wait3A_92 : memref<100001x128xf32, #tpu.memory_space<hbm>>) dst(%arg9 : memref<128x128xf32, #tpu.memory_space<vmem>>)
      %add3A_93 = arith.addi %mul3A_2, %add3A_85 : i32
      %mul3A_94 = arith.constant 128 : i32
      %mul3A_95 = arith.muli %add3A_93, %mul3A_94 : i32
      "tpu.region"() ({
        %run_scoped3A = tpu.sem_alloc : memref<!tpu.dma_semaphore, #tpu.memory_space<semaphore_mem>>
        %dma_start3A_96 = arith.constant 0 : i32
        %dma_start3A_97 = tpu.memref_slice %arg4[%mul3A_95, %dma_start3A_96] : memref<327680x128xf32, #tpu.memory_space<hbm>> -> memref<128x128xf32, #tpu.memory_space<hbm>>
        %dma_start3A_98 = arith.constant 0 : i32
        %dma_start3A_99 = tpu.memref_slice %arg4[%mul3A_95, %dma_start3A_98] : memref<327680x128xf32, #tpu.memory_space<hbm>> -> memref<128x128xf32, #tpu.memory_space<hbm>>
        tpu.enqueue_dma source(%arg9 : memref<128x128xf32, #tpu.memory_space<vmem>>) target(%dma_start3A_99 : memref<128x128xf32, #tpu.memory_space<hbm>>) target_semaphore(%run_scoped3A : memref<!tpu.dma_semaphore, #tpu.memory_space<semaphore_mem>>)
        %dma_wait3A_100 = arith.constant 0 : i32
        %dma_wait3A_101 = tpu.memref_slice %arg4[%mul3A_95, %dma_wait3A_100] : memref<327680x128xf32, #tpu.memory_space<hbm>> -> memref<128x128xf32, #tpu.memory_space<hbm>>
        %dma_wait3A_102 = arith.constant 0 : i32
        %dma_wait3A_103 = tpu.memref_slice %arg4[%mul3A_95, %dma_wait3A_102] : memref<327680x128xf32, #tpu.memory_space<hbm>> -> memref<128x128xf32, #tpu.memory_space<hbm>>
        tpu.wait_dma2 semaphore(%run_scoped3A : memref<!tpu.dma_semaphore, #tpu.memory_space<semaphore_mem>>) src(%arg9 : memref<128x128xf32, #tpu.memory_space<vmem>>) dst(%dma_wait3A_103 : memref<128x128xf32, #tpu.memory_space<hbm>>)
        tpu.yield
      }) : () -> ()
    }
    %scan3A_20 = arith.constant 20 : i32
    return
  }
}

module attributes {stable_mosaic.version = 14 : i64} {
  func.func @_tc_dense_kernel(%arg0: i32, %arg1: memref<30x8192xf32, #tpu.memory_space<vmem>>, %arg2: memref<30x128xf32, #tpu.memory_space<vmem>>, %arg3: memref<1x128xf32, #tpu.memory_space<vmem>>, %arg4: memref<8192x128xf32, #tpu.memory_space<vmem>>) attributes {dimension_semantics = [#tpu.dimension_semantics<parallel>], iteration_bounds = array<i64: 13>, scalar_prefetch = 0 : i64, scratch_operands = 0 : i64, tpu.core_type = #tpu.core_type<tc>, window_params = [{transform_indices = @transform_0, window_bounds = array<i64: 30, 8192>}, {pipeline_mode = #tpu.pipeline_mode<synchronous>, transform_indices = @transform_1, window_bounds = array<i64: 30, 128>}, {pipeline_mode = #tpu.pipeline_mode<synchronous>, transform_indices = @transform_2, window_bounds = array<i64: 1, 128>}, {transform_indices = @transform_3, window_bounds = array<i64: 8192, 128>}]} {
    %get3A = arith.constant 0 : index
    %get3A_0 = arith.constant 0 : index
    %get3A_1 = vector.load %arg1[%get3A, %get3A_0] : memref<30x8192xf32, #tpu.memory_space<vmem>>, vector<30x8192xf32>
    %mul3A = arith.mulf %get3A_1, %get3A_1 : vector<30x8192xf32>
    %reduce_sum3A = arith.constant dense<0.000000e+00> : vector<8192xf32>
    %reduce_sum3A_2 = vector.multi_reduction <add>, %mul3A, %reduce_sum3A [0] : vector<30x8192xf32> to vector<8192xf32>
    %broadcast_in_dim3A = vector.shape_cast %reduce_sum3A_2 : vector<8192xf32> to vector<1x8192xf32>
    %max3A = arith.constant 1.000000e-24 : f32
    %max3A_3 = vector.broadcast %max3A : f32 to vector<1x8192xf32>
    %max3A_4 = arith.maximumf %broadcast_in_dim3A, %max3A_3 : vector<1x8192xf32>
    %rsqrt3A = math.rsqrt %max3A_4 : vector<1x8192xf32>
    %mul3A_5 = vector.broadcast %rsqrt3A : vector<1x8192xf32> to vector<30x8192xf32>
    %mul3A_6 = arith.mulf %get3A_1, %mul3A_5 : vector<30x8192xf32>
    %tanh3A = math.tanh %mul3A_6 : vector<30x8192xf32>
    %get3A_7 = arith.constant 0 : index
    %get3A_8 = arith.constant 0 : index
    %get3A_9 = vector.load %arg2[%get3A_7, %get3A_8] : memref<30x128xf32, #tpu.memory_space<vmem>>, vector<30x128xf32>
    %dot_general3A = arith.constant dense<0.000000e+00> : vector<8192x128xf32>
    %dot_general3A_10 = tpu.matmul %tanh3A, %get3A_9, %dot_general3A {dimension_numbers = #tpu.dot_dimension_numbers<[0], [0], [1], [1], [0, 1, 1, 1], [], []>, transpose_lhs_hint = false} : vector<30x8192xf32>, vector<30x128xf32>, vector<8192x128xf32> -> vector<8192x128xf32>
    %get3A_11 = arith.constant 0 : index
    %get3A_12 = arith.constant 0 : index
    %get3A_13 = vector.load %arg3[%get3A_11, %get3A_12] : memref<1x128xf32, #tpu.memory_space<vmem>>, vector<1x128xf32>
    %add3A = vector.broadcast %get3A_13 : vector<1x128xf32> to vector<8192x128xf32>
    %add3A_14 = arith.addf %dot_general3A_10, %add3A : vector<8192x128xf32>
    %mul3A_15 = arith.mulf %add3A_14, %add3A_14 : vector<8192x128xf32>
    %reduce_sum3A_16 = arith.constant dense<0.000000e+00> : vector<8192xf32>
    %reduce_sum3A_17 = vector.multi_reduction <add>, %mul3A_15, %reduce_sum3A_16 [1] : vector<8192x128xf32> to vector<8192xf32>
    %broadcast_in_dim3A_18 = vector.shape_cast %reduce_sum3A_17 : vector<8192xf32> to vector<8192x1xf32>
    %max3A_19 = arith.constant 1.000000e-24 : f32
    %max3A_20 = vector.broadcast %max3A_19 : f32 to vector<8192x1xf32>
    %max3A_21 = arith.maximumf %broadcast_in_dim3A_18, %max3A_20 : vector<8192x1xf32>
    %rsqrt3A_22 = math.rsqrt %max3A_21 : vector<8192x1xf32>
    %mul3A_23 = vector.broadcast %rsqrt3A_22 : vector<8192x1xf32> to vector<8192x128xf32>
    %mul3A_24 = arith.mulf %add3A_14, %mul3A_23 : vector<8192x128xf32>
    %max3A_25 = arith.constant 0.000000e+00 : f32
    %max3A_26 = vector.broadcast %max3A_25 : f32 to vector<8192x128xf32>
    %max3A_27 = arith.maximumf %mul3A_24, %max3A_26 : vector<8192x128xf32>
    %swap3A = arith.constant 0 : index
    %swap3A_28 = arith.constant 0 : index
    %swap3A_29 = vector.load %arg4[%swap3A, %swap3A_28] : memref<8192x128xf32, #tpu.memory_space<vmem>>, vector<8192x128xf32>
    tpu.vector_store %arg4[%swap3A, %swap3A_28], %max3A_27 {strides = array<i32>} : memref<8192x128xf32, #tpu.memory_space<vmem>>, vector<8192x128xf32>,
    return
  }
  func.func @transform_0(%arg0: i32) -> (i32, i32) {
    %c0_i32 = arith.constant 0 : i32
    %c0_i32_0 = arith.constant 0 : i32
    return %c0_i32, %arg0 : i32, i32
  }
  func.func @transform_1(%arg0: i32) -> (i32, i32) {
    %c0_i32 = arith.constant 0 : i32
    %c0_i32_0 = arith.constant 0 : i32
    %c0_i32_1 = arith.constant 0 : i32
    return %c0_i32, %c0_i32_0 : i32, i32
  }
  func.func @transform_2(%arg0: i32) -> (i32, i32) {
    %c0_i32 = arith.constant 0 : i32
    %c0_i32_0 = arith.constant 0 : i32
    %c0_i32_1 = arith.constant 0 : i32
    return %c0_i32, %c0_i32_0 : i32, i32
  }
  func.func @transform_3(%arg0: i32) -> (i32, i32) {
    %c0_i32 = arith.constant 0 : i32
    %c0_i32_0 = arith.constant 0 : i32
    return %arg0, %c0_i32 : i32, i32
  }
}

</mosaic_0001>

<sc_bundles>
// kernel: kernel.4.cloned.1.call-start
scs
__scs_entry_jumppad:
0x0: {  	(pc) =	sbr.rel $0x88, $3  }
0x1: {  	(tag) =	ssettag $0x0;
	lr =	simm.s32 $0x1  }
0x2: {  	[smem:$0x3F9D] =	sst lr;
	_ =	strace $0xD0000000  }
0x3: {  	_ = 	snop  }
0x4: {  	_ = 	snop  }
0x5: {  	_ = 	snop  }
0x6: {  	_ = 	snop  }
0x7: {  	_ = 	snop  }
__scs_overlays_trampoline_lowered:
0x8: {  	[smem:$0x3FAC] =	sst s0  }
0x9: {  	[smem:$0x3FAD] =	sst s1  }
0xa: {  	[smem:$0x3FAE] =	sst s2  }
0xb: {  	[smem:$0x3FAF] =	sst s3  }
0xc: {  	[smem:$0x3FB0] =	sst s4  }
0xd: {  	[smem:$0x3FB1] =	sst s5  }
0xe: {  	[smem:$0x3FB2] =	sst s6  }
0xf: {  	[smem:$0x3FB3] =	sst s7  }
0x10: {  	[smem:$0x3FB4] =	sst s8  }
0x11: {  	[smem:$0x3FB5] =	sst s9;
	s0 =	simm.s32 @!p0 $0x0  }
0x12: {  	s1 =	sld [smem:$0x3F9B];
	s0 =	simm.s32 @p0 $0x1  }
0x13: {  	[smem:$0x3FB6] =	sst s0;
	s0 =	simm.s32 @!p1 $0x0  }
0x14: {  	s2 =	sld [smem:$0x3F9A];
	s0 =	simm.s32 @p1 $0x1  }
0x15: {  	[smem:$0x3FB7] =	sst s0;
	s0 =	simm.s32 @!p2 $0x0  }
0x16: {  	s3 =	sld [smem:$0x3FDB];
	s0 =	simm.s32 @p2 $0x1  }
0x17: {  	s4 =	simm.s32 $0x1BF5;
	[smem:$0x3FB9] =	sst s0  }
0x18: {  	s0 =	sld [smem:$0x3F9C];
	_ =	swait.ge [sflag:s4], $0x0  }
0x19: {  	s7 =	sld [smem:$0x3F9D]  }
0x1a: {  	s8 =	sadd.s32 $0xFFFFE003, lr  }
0x1b: {  	s9 =	sadd.s32 $0xFFFFFEF7, lr;
	s5 =	simm.s32 $0xFFFFFFFF;
	p2 =	slt.u32 s8, $0xFFFFF086  }
0x1c: {  	p1 =	slt.u32 s9, $0xF7A;
	s5 =	simm.s32 @!p2 $0x0  }
0x1d: {  	s5 =	simm.s32 @p1 $0x1;
	p0 =	seq.s32 s7, s2  }
0x1e: {  	s7 =	smul.u32 @!p0 $0xF7A, s2;
	p2 =	seq.s32 @!p0 s5, $0x0  }
0x1f: {  	s9 =	smul.u32 $0xF7A, s1;
	s8 =	simm.s32 @!p0 $0x1BF5;
	p2 =	por !p2, p0  }
0x20: {  	[sflag:s8] =	ssyncset.s32 @!p0 $0xFFFFF086;
	s6 =	sadd.s32 @!p0 s3, s7;
	s7 =	simm.s32 @!p0 $0x108  }
0x21: {  	s3 =	sadd.s32 s3, s9;
	s6 =	sadd.s32 @!p0 $0x88, s6;
	s7 =	simm.s32 @p2 $0x1082  }
0x22: {  	[simem:s7], [sflag:s8] =	dma.local @!p0 [hbm:s6], $0xF7A  }
0x23: {  	s9 =	sor.u32 $0xD0000000, s2;
	s6 =	simm.s32 $0x108;
	_ =	swait.ge @!p0 [sflag:s8], $0x0  }
0x24: {  	s3 =	sadd.s32 $0x88, s3;
	s6 =	simm.s32 @!p1 $0x1082;
	[sflag:s4] =	ssyncset.s32 $0xFFFFF086  }
0x25: {  	[simem:s6], [sflag:s4] =	dma.local [hbm:s3], $0xF7A  }
0x26: {  	[smem:$0x3F9D] =	sst s1;
	(tag) =	ssettag s2;
	_ =	strace s9  }
0x27: {  	s1 =	sld [smem:$0x3FAD]  }
0x28: {  	s2 =	sld [smem:$0x3FAE]  }
0x29: {  	s4 =	sld [smem:$0x3FB0]  }
0x2a: {  	p0 =	seq.s32 s5, $0x0;
	s5 =	sld [smem:$0x3FB1]  }
0x2b: {  	s6 =	sld [smem:$0x3FB2]  }
0x2c: {  	s7 =	sld [smem:$0x3FB3]  }
0x2d: {  	s3 =	simm.s32 $0x108;
	s8 =	sld [smem:$0x3FB4]  }
0x2e: {  	s3 =	simm.s32 @!p0 $0x1082;
	s9 =	sld [smem:$0x3FB5]  }
0x2f: {  	lr =	sadd.s32 s0, s3;
	s0 =	sld [smem:$0x3FAC]  }
0x30: {  	s3 =	sld [smem:$0x3FAF]  }
0x31: {  	[smem:$0x3FB8] =	sst s10  }
0x32: {  	s10 =	sld [smem:$0x3FB6];
	_ =	sdelay $0x3  }
0x33: {  	p0 =	seq.s32 s10, $0x1;
	s10 =	sld [smem:$0x3FB8];
	_ =	sdelay $0x3  }
0x34: {  	[smem:$0x3FB8] =	sst s10  }
0x35: {  	s10 =	sld [smem:$0x3FB7];
	_ =	sdelay $0x3  }
0x36: {  	p1 =	seq.s32 s10, $0x1;
	s10 =	sld [smem:$0x3FB8];
	_ =	sdelay $0x3  }
0x37: {  	[smem:$0x3FB8] =	sst s10  }
0x38: {  	s10 =	sld [smem:$0x3FB9]  }
0x39: {  	_ = 	snop;
	(pc) =	sbr.ind lr, $3  }
0x3a: {  	_ = 	snop  }
0x3b: {  	_ = 	snop  }
0x3c: {  	p2 =	seq.s32 s10, $0x1;
	s10 =	sld [smem:$0x3FB8]  }
0x3d: {  	_ =	shalt  }
0x3e: {  	_ =	shalt  }
0x3f: {  	_ =	shalt  }
0x40: {  	_ =	shalt  }
0x41: {  	_ =	shalt  }
0x42: {  	_ =	shalt  }
0x43: {  	_ =	shalt  }
0x44: {  	_ =	shalt  }
0x45: {  	_ =	shalt  }
0x46: {  	_ =	shalt  }
0x47: {  	_ =	shalt  }
0x48: {  	_ =	shalt  }
0x49: {  	_ =	shalt  }
0x4a: {  	_ =	shalt  }
0x4b: {  	_ =	shalt  }
0x4c: {  	_ =	shalt  }
0x4d: {  	_ =	shalt  }
0x4e: {  	_ =	shalt  }
0x4f: {  	_ =	shalt  }
0x50: {  	_ =	shalt  }
0x51: {  	_ =	shalt  }
0x52: {  	_ =	shalt  }
0x53: {  	_ =	shalt  }
0x54: {  	_ =	shalt  }
0x55: {  	_ =	shalt  }
0x56: {  	_ =	shalt  }
0x57: {  	_ =	shalt  }
0x58: {  	_ =	shalt  }
0x59: {  	_ =	shalt  }
0x5a: {  	_ =	shalt  }
0x5b: {  	_ =	shalt  }
0x5c: {  	_ =	shalt  }
0x5d: {  	_ =	shalt  }
0x5e: {  	_ =	shalt  }
0x5f: {  	_ =	shalt  }
0x60: {  	_ =	shalt  }
0x61: {  	_ =	shalt  }
0x62: {  	_ =	shalt  }
0x63: {  	_ =	shalt  }
0x64: {  	_ =	shalt  }
0x65: {  	_ =	shalt  }
0x66: {  	_ =	shalt  }
0x67: {  	_ =	shalt  }
0x68: {  	_ =	shalt  }
0x69: {  	_ =	shalt  }
0x6a: {  	_ =	shalt  }
0x6b: {  	_ =	shalt  }
0x6c: {  	_ =	shalt  }
0x6d: {  	_ =	shalt  }
0x6e: {  	_ =	shalt  }
0x6f: {  	_ =	shalt  }
0x70: {  	_ =	shalt  }
0x71: {  	_ =	shalt  }
0x72: {  	_ =	shalt  }
0x73: {  	_ =	shalt  }
0x74: {  	_ =	shalt  }
0x75: {  	_ =	shalt  }
0x76: {  	_ =	shalt  }
0x77: {  	_ =	shalt  }
0x78: {  	_ =	shalt  }
0x79: {  	_ =	shalt  }
0x7a: {  	_ =	shalt  }
0x7b: {  	_ =	shalt  }
0x7c: {  	_ =	shalt  }
0x7d: {  	_ =	shalt  }
0x7e: {  	_ =	shalt  }
0x7f: {  	_ =	shalt  }
0x80: {  	_ =	shalt  }
0x81: {  	_ =	shalt  }
0x82: {  	_ =	shalt  }
0x83: {  	_ =	shalt  }
0x84: {  	_ =	shalt  }
0x85: {  	_ =	shalt  }
0x86: {  	_ =	shalt  }
0x87: {  	_ =	shalt  }
.Lfunc_end0:
.L_simem_size_0:
called_computation_lowered:
.L_overlay_start_0:
0x88: {  	s2 =	sld [smem:$0x3FD9]  }
0x89: {  	s3 =	sld [smem:$0x3FFE];
	_ =	sdelay $0x1  }
0x8a: {  	s1 =	srdreg.scid  }
0x8b: {  	s0 =	sand.u32 $0x1, s1  }
0x8c: {  	s17 =	sshll.u32 s0, $0xA;
	s2 =	sadd.s32 s3, s2  }
0x8d: {  	s2 =	sadd.s32 s2, s17  }
0x8e: {  	[smem:$0x3FC4] =	sst s2  }
0x8f: {  	_ = 	snop  }
0x90: {  	s2 =	sld [smem:$0x3FC9]  }
0x91: {  	s18 =	sld [smem:$0x3FD0];
	(tm) =	ssettm $0x1  }
0x92: {  	s4 =	sld [smem:$0x3FFB];
	_ =	sdelay $0x3  }
0x93: {  	_ =	strace s4  }
0x94: {  	s4 =	sld [smem:$0x3FFC];
	_ =	sdelay $0x3  }
0x95: {  	_ =	strace s4  }
0x96: {  	s4 =	sld [smem:$0x3FFD];
	_ =	sdelay $0x3  }
0x97: {  	_ =	strace s4  }
0x98: {  	_ =	strace $0x8FFFFFFF  }
0x99: {  	s19 =	sld [smem:$0x3FDB];
	_ =	sdelay $0x1  }
0x9a: {  	s5 =	simm.s32 $_scs_section_size  }
0x9b: {  	s6 =	simm.s32 $_size__tile_overlayer_lowered;
	s7 =	simm.s32 $_tile_overlayer_lowered  }
0x9c: {  	s22 =	simm.s32 $0x1BFF;
	s21 =	sshll.u32 s7, $0x1;
	s4 =	sadd.s32 s5, s19  }
0x9d: {  	s8 =	simm.s32 $0x0;
	s20 =	sshll.u32 s6, $0x1;
	s6 =	sadd.s32 s21, s4  }
0x9e: {  	[timem:s8], [sflag:s22] =	dma.local [hbm:s6], s20  }
0x9f: {  	_ =	swait.ge [sflag:s22], s20  }
0xa0: {  	s5 =	ssub.s32 $0x0, s20;
	[sflag:s22] =	ssyncset.done $0x0  }
0xa1: {  	[sflag:s22] =	ssyncadd.s32 s5;
	_ =	sdelay $0x1  }
0xa2: {  	s23 =	simm.s32 $0x1B8B  }
0xa3: {  	_ =	swait.ge [sflag:s23], $0x1  }
0xa4: {  	[sflag:s23] =	ssyncset.done $0x0  }
0xa5: {  	s25 =	simm.s32 $0x1B8E;
	s24 =	sld [smem:$0x3FFE];
	[sflag:s23] =	ssyncadd.s32 $0xFFFFFFFF  }
0xa6: {  	s26 =	simm.s32 $execute0_lowered;
	[smem:$0x3FD2] =	sst s25  }
0xa7: {  	s6 =	sshll.u32 s26, $0x1;
	_ =	strace $0x80000046;
	[dreg:$0x1] =	wrdreg $0xFFFFFFFF  }
0xa8: {  	s28 =	simm.s32 $_size_execute0_lowered;
	s4 =	sadd.s32 s4, s6;
	[dreg:$0x0] =	wrdreg $0x0  }
0xa9: {  	s6 =	sshll.u32 s28, $0x1;
	[dreg:$0x2] =	wrdreg s4  }
0xaa: {  	[dreg:$0x3] =	wrdreg s6  }
0xab: {  	[dreg:$0x4] =	wrdreg $0xC0  }
0xac: {  	_ =	task [dreg:s8], $0x5FFFF  }
0xad: {  	[dreg:$0x1] =	wrdreg $0xFFFFFFFF  }
0xae: {  	[dreg:$0x0] =	wrdreg $0x60  }
0xaf: {  	[dreg:$0x2] =	wrdreg s2  }
0xb0: {  	[dreg:$0x3] =	wrdreg s24  }
0xb1: {  	[dreg:$0x4] =	wrdreg s18  }
0xb2: {  	[dreg:$0x5] =	wrdreg $0x9  }
0xb3: {  	_ =	task.clear_ibuf [dreg:s8], $0x6FFFF;
	_ =	strace $0x90000046  }
0xb4: {  	s29 =	simm.s32 $0x9;
	_ =	strace $0x80000048  }
0xb5: {  	_ =	swait.ge [sflag:s29], $0x1  }
0xb6: {  	[sflag:s29] =	ssyncadd.s32 $0xFFFFFFFF  }
0xb7: {  	_ =	strace $0x90000048  }
0xb8: {  	_ =	sfence  }
0xb9: {  	s30 =	sld [smem:$0x0];
	_ =	sdelay $0x2  }
0xba: {  	s31 =	sshll.u32 s1, $0xD;
	s1 =	sshrl.u32 s1, $0x2  }
0xbb: {  	s3 =	sand.u32 $0x4000, s31;
	s1 =	sadd.s32 s1, s30  }
0xbc: {  	s0 =	sor.u32 s3, s0;
	s1 =	sshll.u32 s1, $0x11  }
0xbd: {  	s0 =	sor.u32 s1, s0  }
0xbe: {  	s0 =	sadd.s32 $0x8F2B, s0  }
0xbf: {  	[sflag:s0] =	ssyncadd.remote.s32 $0x1  }
0xc0: {  	_ =	sfence.sel $0xFFFF  }
0xc1: {  	[dreg:$0x0] =	wrdreg $0xFFFFFFFF;
	(pc) =	sbr.abs _section_cstart, $3  }
0xc2: {  	[dreg:$0x1] =	wrdreg $0xFFFFFFFF  }
0xc3: {  	_ =	task.clear_ibuf [dreg:s8], $0x2FFFF;
	_ =	strace $0x9FFFFFFF  }
0xc4: {  	(tm) =	ssettm $0x7FFFFFFF  }
0xc5: {  	_ =	shalt  }
tec
execute0_lowered:
.L_overlay_start_1:
0x0: {  	(tag) =	ssettag $0x1  }
0x1: {  	s4 =	rddreg [dreg:$0x0]  }
0x2: {  	s3 =	rddreg [dreg:$0x1];
	s1 =	srdreg.scid  }
0x3: {  	s0 =	stileid.u32;
	s11 =	rddreg [dreg:$0x2]  }
0x4: {  	s2 =	simm.s32 $0x0;
	s15 =	simm.s32 $0x2800;
	s16 =	simm.s32 $0x6800  }
0x5: {  	s17 =	simm.s32 $0xA800;
	s18 =	simm.s32 $0x1;
	s19 =	simm.s32 $0xE800  }
0x6: {  	s20 =	simm.s32 $0x2;
	s21 =	simm.s32 $0x3;
	s22 =	simm.s32 $0x4  }
0x7: {  	s23 =	simm.s32 $0x2700;
	s24 =	simm.s32 $0x2780;
	s10 =	smul.u32 $0xA0, s0  }
0x8: {  	s25 =	simm.s32 $0x0;
	s9 =	sand.u32 $0x1, s1;
	s13 =	smul.u32 $0x50000, s0  }
0x9: {  	s5 =	sshll.u32 s0, $0x1;
	[smem:$0x7FF] =	sst s2;
	s30 =	smul.u32 $0x50, s9  }
0xa: {  	s3 =	sadd.s32 $0xA00, s3;
	s5 =	sor.u32 s9, s5;
	s14 =	smul.u32 $0x28000, s9  }
0xb: {  	_ =	strace $0x80000047;
	s7 =	ssub.s32 $0x2, s9;
	s6 =	smul.u32 $0x500, s5  }
0xc: {  	s5 =	smul.u32 $0x28000, s5;
	s8 =	sshrl.u32 s7, $0x1;
	s31 =	sadd.s32 s13, s11  }
0xd: {  	s13 =	simm.s32 $0x5;
	s7 =	ssub.s32 s7, s8;
	s10 =	sadd.s32 s30, s10  }
0xe: {  	s12 =	sadd.s32 s11, s5;
	s4 =	sadd.s32 s4, s6;
	s5 =	smax.u32 s7, $0x1  }
0xf: {  	s10 =	sshll.u32 s10, $0xB;
	s6 =	sadd.s32 $0x26000, s12;
	s7 =	sadd.s32 $0x26800, s12  }
0x10: {  	s8 =	sadd.s32 $0x27000, s12;
	s9 =	sadd.s32 $0x27800, s12;
	s10 =	sadd.s32 s10, s11  }
0x11: {  	s12 =	sadd.s32 s14, s31;
	s14 =	simm.s32 $0x80;
	s11 =	sadd.s32 $0x1000, s10  }
.LBB2_1:
0x12: {  	[tilespmem:s2], [sflag:$0x5] =	stream.linear.gather [hbm4b:s4+s2], $0x2800, $0x38;
	[tilespmem:$0x12800] =	vst v63  }
0x13: {  	_ =	swait.ge [sflag:s13], $0x2800  }
0x14: {  	[sflag:s13] =	ssyncset.done $0x0  }
0x15: {  	[sflag:s13] =	ssyncadd.s32 $0xFFFFD800  }
0x16: {  	[tilespmem:s15], [sflag:$0x1] =	stream.indirect.gather [hbm4b:s3+s14], $0x80, s2, s14, $0xb8;
	[tilespmem:$0x12800] =	vst v63  }
0x17: {  	_ = 	snop  }
0x18: {  	[tilespmem:s16], [sflag:$0x2] =	stream.indirect.gather [hbm4b:s3+s14], $0x80, s14, s14, $0xb8;
	[tilespmem:$0x12800] =	vst v63  }
0x19: {  	s26 =	simm.s32 $0x100  }
0x1a: {  	[tilespmem:s17], [sflag:$0x3] =	stream.indirect.gather [hbm4b:s3+s14], $0x80, s26, s14, $0xb8;
	[tilespmem:$0x12800] =	vst v63  }
0x1b: {  	_ =	swait.ge [sflag:s18], $0x4000  }
0x1c: {  	[sflag:s18] =	ssyncset.done $0x0  }
0x1d: {  	s1 =	sadd.s32 $0x0, s12;
	[sflag:s18] =	ssyncadd.s32 $0xFFFFC000  }
0x1e: {  	[hbm4b:s1+s2] =	stream.linear.scatter [tilespmem:s15], [sflag:$0x5], $0x4000, $0x38;
	[tilespmem:$0x12800] =	vst v63  }
0x1f: {  	_ =	swait.ge [sflag:s13], $0x4000  }
0x20: {  	[sflag:s13] =	ssyncset.done $0x0  }
0x21: {  	s30 =	simm.s32 $0x180;
	[sflag:s13] =	ssyncadd.s32 $0xFFFFC000  }
0x22: {  	[tilespmem:s19], [sflag:$0x4] =	stream.indirect.gather [hbm4b:s3+s14], $0x80, s30, s14, $0xb8;
	[tilespmem:$0x12800] =	vst v63  }
0x23: {  	_ =	swait.ge [sflag:s20], $0x4000  }
0x24: {  	s31 =	sadd.s32 $0x0, s10;
	[sflag:s20] =	ssyncset.done $0x0  }
0x25: {  	s28 =	sadd.s32 $0x800, s31;
	[sflag:s20] =	ssyncadd.s32 $0xFFFFC000  }
0x26: {  	[hbm4b:s28+s2] =	stream.linear.scatter [tilespmem:s16], [sflag:$0x5], $0x4000, $0x38;
	[tilespmem:$0x12800] =	vst v63  }
0x27: {  	_ =	swait.ge [sflag:s13], $0x4000  }
0x28: {  	[sflag:s13] =	ssyncset.done $0x0  }
0x29: {  	s28 =	simm.s32 $0x200;
	[sflag:s13] =	ssyncadd.s32 $0xFFFFC000  }
0x2a: {  	[tilespmem:s15], [sflag:$0x1] =	stream.indirect.gather [hbm4b:s3+s14], $0x80, s28, s14, $0xb8;
	[tilespmem:$0x12800] =	vst v63  }
0x2b: {  	_ =	swait.ge [sflag:s21], $0x4000  }
0x2c: {  	[sflag:s21] =	ssyncset.done $0x0  }
0x2d: {  	s28 =	sadd.s32 $0x0, s11;
	[sflag:s21] =	ssyncadd.s32 $0xFFFFC000  }
0x2e: {  	[hbm4b:s28+s2] =	stream.linear.scatter [tilespmem:s17], [sflag:$0x5], $0x4000, $0x38;
	[tilespmem:$0x12800] =	vst v63  }
0x2f: {  	_ =	swait.ge [sflag:s13], $0x4000  }
0x30: {  	[sflag:s13] =	ssyncset.done $0x0  }
0x31: {  	s28 =	simm.s32 $0x280;
	[sflag:s13] =	ssyncadd.s32 $0xFFFFC000  }
0x32: {  	[tilespmem:s16], [sflag:$0x2] =	stream.indirect.gather [hbm4b:s3+s14], $0x80, s28, s14, $0xb8;
	[tilespmem:$0x12800] =	vst v63  }
0x33: {  	_ =	swait.ge [sflag:s22], $0x4000  }
0x34: {  	[sflag:s22] =	ssyncset.done $0x0  }
0x35: {  	s26 =	sadd.s32 $0x1800, s31;
	[sflag:s22] =	ssyncadd.s32 $0xFFFFC000  }
0x36: {  	[hbm4b:s26+s2] =	stream.linear.scatter [tilespmem:s19], [sflag:$0x5], $0x4000, $0x38;
	[tilespmem:$0x12800] =	vst v63  }
0x37: {  	s29 =	simm.s32 $0x4000;
	_ =	swait.ge [sflag:s13], $0x4000  }
0x38: {  	s28 =	simm.s32 $0x2000;
	s26 =	simm.s32 $0x380;
	[sflag:s13] =	ssyncset.done $0x0  }
.LBB2_2:
0x39: {  	p0 =	sne.s32 s29, $0x24000;
	s30 =	sadd.s32 $0xFFFFFF80, s26;
	[sflag:s13] =	ssyncadd.s32 $0xFFFFC000  }
0x3a: {  	[tilespmem:s17], [sflag:$0x3] =	stream.indirect.gather [hbm4b:s3+s14], $0x80, s30, s14, $0xb8;
	[tilespmem:$0x12800] =	vst v63  }
0x3b: {  	s30 =	smov.u32 s29;
	s29 =	sadd.s32 $0x2000, s29;
	_ =	swait.ge [sflag:s18], $0x4000  }
0x3c: {  	[sflag:s18] =	ssyncset.done $0x0  }
0x3d: {  	s31 =	sadd.s32 s28, s12;
	[sflag:s18] =	ssyncadd.s32 $0xFFFFC000  }
0x3e: {  	[hbm4b:s31+s2] =	stream.linear.scatter [tilespmem:s15], [sflag:$0x5], $0x4000, $0x38;
	[tilespmem:$0x12800] =	vst v63  }
0x3f: {  	_ =	swait.ge [sflag:s13], $0x4000  }
0x40: {  	[sflag:s13] =	ssyncset.done $0x0  }
0x41: {  	[sflag:s13] =	ssyncadd.s32 $0xFFFFC000  }
0x42: {  	[tilespmem:s19], [sflag:$0x4] =	stream.indirect.gather [hbm4b:s3+s14], $0x80, s26, s14, $0xb8;
	[tilespmem:$0x12800] =	vst v63  }
0x43: {  	_ =	swait.ge [sflag:s20], $0x4000  }
0x44: {  	s31 =	sadd.s32 s28, s10;
	[sflag:s20] =	ssyncset.done $0x0  }
0x45: {  	s1 =	sadd.s32 $0x800, s31;
	[sflag:s20] =	ssyncadd.s32 $0xFFFFC000  }
0x46: {  	[hbm4b:s1+s2] =	stream.linear.scatter [tilespmem:s16], [sflag:$0x5], $0x4000, $0x38;
	[tilespmem:$0x12800] =	vst v63  }
0x47: {  	_ =	swait.ge [sflag:s13], $0x4000  }
0x48: {  	[sflag:s13] =	ssyncset.done $0x0  }
0x49: {  	s1 =	sadd.s32 $0x80, s26;
	[sflag:s13] =	ssyncadd.s32 $0xFFFFC000  }
0x4a: {  	[tilespmem:s15], [sflag:$0x1] =	stream.indirect.gather [hbm4b:s3+s14], $0x80, s1, s14, $0xb8;
	[tilespmem:$0x12800] =	vst v63  }
0x4b: {  	_ =	swait.ge [sflag:s21], $0x4000  }
0x4c: {  	[sflag:s21] =	ssyncset.done $0x0  }
0x4d: {  	s1 =	sadd.s32 s28, s11;
	s28 =	smov.u32 s30;
	[sflag:s21] =	ssyncadd.s32 $0xFFFFC000  }
0x4e: {  	[hbm4b:s1+s2] =	stream.linear.scatter [tilespmem:s17], [sflag:$0x5], $0x4000, $0x38;
	[tilespmem:$0x12800] =	vst v63  }
0x4f: {  	_ =	swait.ge [sflag:s13], $0x4000  }
0x50: {  	[sflag:s13] =	ssyncset.done $0x0  }
0x51: {  	s1 =	sadd.s32 $0x100, s26;
	[sflag:s13] =	ssyncadd.s32 $0xFFFFC000  }
0x52: {  	[tilespmem:s16], [sflag:$0x2] =	stream.indirect.gather [hbm4b:s3+s14], $0x80, s1, s14, $0xb8;
	[tilespmem:$0x12800] =	vst v63  }
0x53: {  	_ =	swait.ge [sflag:s22], $0x4000  }
.Ltmp0:
0x54: {  	[sflag:s22] =	ssyncset.done $0x0;
	(pc) =	sbr.rel @p0 .LBB2_2-.Ltmp0, $4  }
0x55: {  	s1 =	sadd.s32 $0x1800, s31;
	[sflag:s22] =	ssyncadd.s32 $0xFFFFC000  }
0x56: {  	[hbm4b:s1+s2] =	stream.linear.scatter [tilespmem:s19], [sflag:$0x5], $0x4000, $0x38;
	[tilespmem:$0x12800] =	vst v63  }
0x57: {  	_ =	swait.ge [sflag:s13], $0x4000  }
0x58: {  	s26 =	sadd.s32 $0x200, s26;
	[sflag:s13] =	ssyncset.done $0x0  }
0x59: {  	s1 =	sadd.s32 $0xFFFFFF80, s26;
	[sflag:s13] =	ssyncadd.s32 $0xFFFFC000  }
0x5a: {  	[tilespmem:s17], [sflag:$0x3] =	stream.indirect.gather [hbm4b:s3+s14], $0x80, s1, s14, $0xb8;
	[tilespmem:$0x12800] =	vst v63  }
0x5b: {  	_ =	swait.ge [sflag:s18], $0x4000  }
0x5c: {  	[sflag:s18] =	ssyncset.done $0x0  }
0x5d: {  	s30 =	sadd.s32 s28, s12;
	[sflag:s18] =	ssyncadd.s32 $0xFFFFC000  }
0x5e: {  	[hbm4b:s30+s2] =	stream.linear.scatter [tilespmem:s15], [sflag:$0x5], $0x4000, $0x38;
	[tilespmem:$0x12800] =	vst v63  }
0x5f: {  	_ =	swait.ge [sflag:s13], $0x4000  }
0x60: {  	[sflag:s13] =	ssyncset.done $0x0  }
0x61: {  	[sflag:s13] =	ssyncadd.s32 $0xFFFFC000  }
0x62: {  	[tilespmem:s19], [sflag:$0x4] =	stream.indirect.gather [hbm4b:s3+s14], $0x80, s26, s14, $0xb8;
	[tilespmem:$0x12800] =	vst v63  }
0x63: {  	_ =	swait.ge [sflag:s20], $0x4000  }
0x64: {  	s1 =	sadd.s32 s28, s10;
	[sflag:s20] =	ssyncset.done $0x0  }
0x65: {  	s29 =	sadd.s32 $0x800, s1;
	[sflag:s20] =	ssyncadd.s32 $0xFFFFC000  }
0x66: {  	[hbm4b:s29+s2] =	stream.linear.scatter [tilespmem:s16], [sflag:$0x5], $0x4000, $0x38;
	[tilespmem:$0x12800] =	vst v63  }
0x67: {  	_ =	swait.ge [sflag:s13], $0x4000  }
0x68: {  	[sflag:s13] =	ssyncset.done $0x0  }
0x69: {  	s31 =	sadd.s32 $0x80, s26;
	[sflag:s13] =	ssyncadd.s32 $0xFFFFC000  }
0x6a: {  	[tilespmem:s15], [sflag:$0x1] =	stream.indirect.gather [hbm4b:s3+s14], $0x80, s31, s14, $0xb8;
	[tilespmem:$0x12800] =	vst v63  }
0x6b: {  	_ =	swait.ge [sflag:s21], $0x4000  }
0x6c: {  	[sflag:s21] =	ssyncset.done $0x0  }
0x6d: {  	s30 =	sadd.s32 s28, s11;
	[sflag:s21] =	ssyncadd.s32 $0xFFFFC000  }
0x6e: {  	[hbm4b:s30+s2] =	stream.linear.scatter [tilespmem:s17], [sflag:$0x5], $0x4000, $0x38;
	[tilespmem:$0x12800] =	vst v63  }
0x6f: {  	_ =	swait.ge [sflag:s13], $0x4000  }
0x70: {  	[sflag:s13] =	ssyncset.done $0x0  }
0x71: {  	s31 =	sadd.s32 $0x100, s26;
	[sflag:s13] =	ssyncadd.s32 $0xFFFFC000  }
0x72: {  	[tilespmem:s16], [sflag:$0x2] =	stream.indirect.gather [hbm4b:s3+s14], $0x80, s31, s14, $0xb8;
	[tilespmem:$0x12800] =	vst v63  }
0x73: {  	_ =	swait.ge [sflag:s22], $0x4000  }
0x74: {  	[sflag:s22] =	ssyncset.done $0x0  }
0x75: {  	s1 =	sadd.s32 $0x1800, s1;
	[sflag:s22] =	ssyncadd.s32 $0xFFFFC000  }
0x76: {  	[hbm4b:s1+s2] =	stream.linear.scatter [tilespmem:s19], [sflag:$0x5], $0x4000, $0x38;
	[tilespmem:$0x12800] =	vst v63  }
0x77: {  	_ =	swait.ge [sflag:s13], $0x4000  }
0x78: {  	[sflag:s13] =	ssyncset.done $0x0  }
0x79: {  	[sflag:s13] =	ssyncadd.s32 $0xFFFFC000  }
0x7a: {  	[tilespmem:s17], [sflag:$0x3] =	stream.indirect.gather [hbm4b:s3+s14], $0x80, s23, s14, $0xb8;
	[tilespmem:$0x12800] =	vst v63  }
0x7b: {  	_ =	swait.ge [sflag:s18], $0x4000  }
0x7c: {  	[sflag:s18] =	ssyncset.done $0x0  }
0x7d: {  	[sflag:s18] =	ssyncadd.s32 $0xFFFFC000  }
0x7e: {  	[hbm4b:s6+s2] =	stream.linear.scatter [tilespmem:s15], [sflag:$0x5], $0x4000, $0x38;
	[tilespmem:$0x12800] =	vst v63  }
0x7f: {  	_ =	swait.ge [sflag:s13], $0x4000  }
0x80: {  	[sflag:s13] =	ssyncset.done $0x0  }
0x81: {  	[sflag:s13] =	ssyncadd.s32 $0xFFFFC000  }
0x82: {  	[tilespmem:s19], [sflag:$0x4] =	stream.indirect.gather [hbm4b:s3+s14], $0x80, s24, s14, $0xb8;
	[tilespmem:$0x12800] =	vst v63  }
0x83: {  	_ =	swait.ge [sflag:s20], $0x4000  }
0x84: {  	[sflag:s20] =	ssyncset.done $0x0  }
0x85: {  	[sflag:s20] =	ssyncadd.s32 $0xFFFFC000  }
0x86: {  	[hbm4b:s7+s2] =	stream.linear.scatter [tilespmem:s16], [sflag:$0x5], $0x4000, $0x38;
	[tilespmem:$0x12800] =	vst v63  }
0x87: {  	_ =	swait.ge [sflag:s13], $0x4000  }
0x88: {  	[sflag:s13] =	ssyncset.done $0x0  }
0x89: {  	[sflag:s13] =	ssyncadd.s32 $0xFFFFC000  }
0x8a: {  	_ =	swait.ge [sflag:s21], $0x4000  }
0x8b: {  	[sflag:s21] =	ssyncset.done $0x0  }
0x8c: {  	[sflag:s21] =	ssyncadd.s32 $0xFFFFC000  }
0x8d: {  	[hbm4b:s8+s2] =	stream.linear.scatter [tilespmem:s17], [sflag:$0x5], $0x4000, $0x38;
	[tilespmem:$0x12800] =	vst v63  }
0x8e: {  	_ =	swait.ge [sflag:s13], $0x4000  }
0x8f: {  	[sflag:s13] =	ssyncset.done $0x0  }
0x90: {  	[sflag:s13] =	ssyncadd.s32 $0xFFFFC000  }
0x91: {  	s25 =	sadd.s32 $0x1, s25;
	_ =	swait.ge [sflag:s22], $0x4000  }
0x92: {  	p0 =	sne.s32 s25, s5;
	[sflag:s22] =	ssyncset.done $0x0  }
.Ltmp1:
0x93: {  	[sflag:s22] =	ssyncadd.s32 $0xFFFFC000;
	(pc) =	sbr.rel @p0 .LBB2_1-.Ltmp1, $4  }
0x94: {  	[hbm4b:s9+s2] =	stream.linear.scatter [tilespmem:s19], [sflag:$0x5], $0x4000, $0x38;
	[tilespmem:$0x12800] =	vst v63  }
0x95: {  	_ =	swait.ge [sflag:s13], $0x4000  }
0x96: {  	[sflag:s13] =	ssyncset.done $0x0  }
0x97: {  	[sflag:s13] =	ssyncadd.s32 $0xFFFFC000  }
0x98: {  	_ =	sfence.sel $0x180000  }
0x99: {  	[bflag:$0x0] =	sbarrier.arrive $0xFFFF  }
0x9a: {  	_ =	strace $0x90000047  }
0x9b: {  	[bflag:$0x2] =	sbarrier.arrive $0xFFFF  }
0x9c: {  	p0 =	sne.s32 s0, $0x0;
	s0 =	rddreg [dreg:$0x3]  }
0x9d: {  	s0 =	sadd.s32 @!p0 $0x100000, s0  }
0x9e: {  	[sflag:s0] =	ssyncadd.tile.s32 @!p0 $0x1;
	_ =	shalt  }
.Lfunc_end2:
_tile_overlayer_lowered:
.L_overlay_start_2:
0x9f: {  	(tag) =	ssettag $0x2  }
0xa0: {  	s0 =	rddreg [dreg:$0x0];
	s2 =	stileid.u32  }
0xa1: {  	s1 =	rddreg [dreg:$0x1];
	p0 =	sne.s32 s2, $0x0  }
0xa2: {  	s3 =	rddreg [dreg:$0x2];
	[bflag:$0x3] =	sbarrier.arrive $0xFFFF;
	s2 =	simm.s32 @!p0 $0x1C05  }
0xa3: {  	[timem:s3], [sflag:s2] =	dma.local @!p0 [hbm:s0], s1  }
0xa4: {  	s0 =	simm.s32 @!p0 $0x5  }
0xa5: {  	_ =	swait.ge @!p0 [sflag:s0], s1  }
0xa6: {  	s1 =	ssub.s32 @!p0 $0x0, s1;
	[sflag:s0] =	ssyncset.done @!p0 $0x0  }
0xa7: {  	[sflag:s0] =	ssyncadd.s32 @!p0 s1  }
0xa8: {  	[bflag:$0x3] =	sbarrier.arrive $0xFFFF  }
0xa9: {  	_ =	shalt  }

</sc_bundles>
